<compile_context>
chip_gen: v7x
topology: tpu7x:2x2x1
jax: 0.10.2.dev20260603
libtpu: 0.0.44.dev20260713+nightly
codegen_flags: <defaults>
</compile_context>

<pallas_src>
import functools

import jax
import jax.numpy as jnp
from jax import lax
from jax.experimental import pallas as pl
from jax.experimental.pallas import tpu as pltpu
from jax.experimental.pallas import tpu_sc as plsc

_HIDDEN = 1024
_EC = 64
_DG = 128
_M = 100000
_B = 1024
_KEC = 3
_KDG = 6
_TOPK = 2

_RBLK = 5000
_NBLK = _M // _RBLK
_BIG = 3.0e9

_NEG = float("-inf")


def _kth_thresh(x, k):
    t = jnp.max(x, axis=-1, keepdims=True)
    cnt = jnp.sum((x == t).astype(jnp.int32), axis=-1, keepdims=True)
    for _ in range(k - 1):
        nxt = jnp.max(jnp.where(x < t, x, _NEG), axis=-1, keepdims=True)
        ncnt = cnt + jnp.sum((x == nxt).astype(jnp.int32),
                             axis=-1, keepdims=True)
        done = cnt >= k
        t = jnp.where(done, t, nxt)
        cnt = jnp.where(done, cnt, ncnt)
    return t


def _encoder_body(ec_ref, wdg_ref, idxc_ref, idxr_ref, dgs_ref, win_ref):
    ec = ec_ref[...]
    ec = jnp.where(ec >= _kth_thresh(ec, _KEC), ec, 0.0)
    dg = jnp.maximum(
        jnp.dot(ec, wdg_ref[...], preferred_element_type=jnp.float32), 0.0)
    dgs_ref[...] = jnp.where(dg >= _kth_thresh(dg, _KDG), dg, 0.0)

    eq = idxc_ref[...] == idxr_ref[...]
    jot = lax.broadcasted_iota(jnp.int32, (_B, _B), 1)
    win_ref[...] = jnp.max(jnp.where(eq, jot, -1), axis=1, keepdims=True)


def _encoder(ec0, W_dg, idx):
    idxc = idx.reshape(_B, 1)
    idxr = idx.reshape(1, _B)
    return pl.pallas_call(
        _encoder_body,
        out_shape=(
            jax.ShapeDtypeStruct((_B, _DG), jnp.float32),
            jax.ShapeDtypeStruct((_B, 1), jnp.int32),
        ),
    )(ec0, W_dg, idxc, idxr)


def _sc_scatter_body(dg_hbm, win_hbm, idx_hbm, mem2_hbm,
                     idx_v, win_v, rows_v, sem):
    nc = 2
    wid = lax.axis_index("s") * nc + lax.axis_index("c")
    per = _B // 32
    base = wid * per
    pltpu.sync_copy(idx_hbm.at[pl.ds(base, per)], idx_v)
    pltpu.sync_copy(win_hbm.at[pl.ds(base, per)], win_v)
    pltpu.async_copy(dg_hbm.at[win_v], rows_v, sem).wait()
    pltpu.async_copy(rows_v, mem2_hbm.at[idx_v], sem).wait()


def _sc_scatter(dg, win, idx, mem2_ref):
    per = _B // 32
    mesh = plsc.VectorSubcoreMesh(core_axis_name="c", subcore_axis_name="s")
    scatter = pl.kernel(
        _sc_scatter_body,
        out_type=(),
        mesh=mesh,
        scratch_types=[
            pltpu.VMEM((per,), jnp.int32),
            pltpu.VMEM((per,), jnp.int32),
            pltpu.VMEM((per, _DG), jnp.float32),
            pltpu.SemaphoreType.DMA,
        ],
    )
    scatter(dg, win, idx, mem2_ref)


def _simtopk_body(dg_ref, mem_ref, rowsb_ref, vals_ref, idx_ref,
                  rv1, ri1, rv2, ri2):
    i = pl.program_id(0)

    @pl.when(i == 0)
    def _init():
        rv1[...] = jnp.full((1, _B), _NEG, jnp.float32)
        rv2[...] = jnp.full((1, _B), _NEG, jnp.float32)
        ri1[...] = jnp.zeros((1, _B), jnp.int32)
        ri2[...] = jnp.zeros((1, _B), jnp.int32)

    sim = lax.dot_general(mem_ref[...], dg_ref[...],
                          (((1,), (1,)), ((), ())),
                          preferred_element_type=jnp.float32)
    rowsb = rowsb_ref[...]
    m1 = jnp.max(sim, axis=0, keepdims=True)
    c1f = jnp.min(jnp.where(sim == m1, rowsb, _BIG), axis=0, keepdims=True)
    sim2 = jnp.where(rowsb == c1f, _NEG, sim)
    m2 = jnp.max(sim2, axis=0, keepdims=True)
    c2f = jnp.min(jnp.where(sim2 == m2, rowsb, _BIG), axis=0, keepdims=True)
    g1 = i * _RBLK + c1f.astype(jnp.int32)
    g2 = i * _RBLK + c2f.astype(jnp.int32)

    a1, a2 = rv1[...], rv2[...]
    j1, j2 = ri1[...], ri2[...]
    take_b1 = m1 > a1
    n1v = jnp.where(take_b1, m1, a1)
    n1i = jnp.where(take_b1, g1, j1)
    l1v = jnp.where(take_b1, a1, m1)
    l1i = jnp.where(take_b1, j1, g1)
    w2v = jnp.where(m2 > a2, m2, a2)
    w2i = jnp.where(m2 > a2, g2, j2)
    take_l = (l1v > w2v) | ((l1v == w2v) & (l1i < w2i))
    n2v = jnp.where(take_l, l1v, w2v)
    n2i = jnp.where(take_l, l1i, w2i)
    rv1[...], ri1[...] = n1v, n1i
    rv2[...], ri2[...] = n2v, n2i

    @pl.when(i == _NBLK - 1)
    def _fin():
        vals_ref[...] = jnp.concatenate([rv1[...], rv2[...]], axis=0)
        idx_ref[...] = jnp.concatenate([ri1[...], ri2[...]], axis=0)


def _simtopk(dg, mem2):
    rowsb = jnp.arange(_RBLK, dtype=jnp.float32).reshape(_RBLK, 1)
    return pl.pallas_call(
        _simtopk_body,
        grid=(_NBLK,),
        in_specs=[
            pl.BlockSpec((_B, _DG), lambda i: (0, 0)),
            pl.BlockSpec((_RBLK, _DG), lambda i: (i, 0)),
            pl.BlockSpec((_RBLK, 1), lambda i: (0, 0)),
        ],
        out_specs=(
            pl.BlockSpec((_TOPK, _B), lambda i: (0, 0)),
            pl.BlockSpec((_TOPK, _B), lambda i: (0, 0)),
        ),
        out_shape=(
            jax.ShapeDtypeStruct((_TOPK, _B), jnp.float32),
            jax.ShapeDtypeStruct((_TOPK, _B), jnp.int32),
        ),
        scratch_shapes=[
            pltpu.VMEM((1, _B), jnp.float32),
            pltpu.VMEM((1, _B), jnp.int32),
            pltpu.VMEM((1, _B), jnp.float32),
            pltpu.VMEM((1, _B), jnp.int32),
        ],
    )(dg, mem2, rowsb)


@jax.jit
def kernel(features, mem, idx, W_ec, W_dg):
    ec0 = features @ W_ec
    dgs, win = _encoder(ec0, W_dg, idx)
    dg = dgs / (jnp.linalg.norm(dgs, axis=-1, keepdims=True) + 1e-6)
    mem2_ref = jax.new_ref(mem + 0.0)
    _sc_scatter(dg, win.reshape(_B), idx, mem2_ref)
    mem2 = mem2_ref[...]
    vals_t, idx_t = _simtopk(dg, mem2)
    return mem2, vals_t.T, idx_t.T

# --- scband reference (transcript-rebuilt; emitter-appended) ---
"""Pipeline reference for scband-hippocampus-system-21809843929414 (READ-ONLY COPY).

The authoritative reference and input builder live on the scoring server;
editing this copy changes nothing except your own understanding.
"""

import jax, jax.numpy as jnp
import numpy as np

HIDDEN = 1024
EC_DIM = 64
DG_DIM = 128
M = 100000
B = 1024
SPARSITY = 0.05
RECALL_TOPK = 2


def _sparsify(x, sparsity):
    # keep top (sparsity * dim) activations per row, zero the rest (DG pattern separation)
    k = max(1, int(x.shape[-1] * sparsity))
    vals, _ = jax.lax.top_k(x, k)
    thresh = vals[..., -1:]
    return jnp.where(x >= thresh, x, 0.0)


def setup_inputs(seed: int = 0) -> dict:
    key = jax.random.key(seed)
    k1, k2, k3, k4, k5 = jax.random.split(key, 5)
    features = jax.random.normal(k1, (B, HIDDEN), dtype=jnp.float32)
    mem = jax.random.normal(k2, (M, DG_DIM), dtype=jnp.float32)
    idx = jax.random.randint(k3, (B,), 0, M)
    # learned parameters: EC encoder projection and DG separator expansion
    W_ec = jax.random.normal(k4, (HIDDEN, EC_DIM), dtype=jnp.float32) * (1.0 / np.sqrt(HIDDEN))
    W_dg = jax.random.normal(k5, (EC_DIM, DG_DIM), dtype=jnp.float32) * (1.0 / np.sqrt(EC_DIM))
    return {"features": features, "mem": mem, "idx": idx, "W_ec": W_ec, "W_dg": W_dg}


def reference(features, mem, idx, W_ec, W_dg):
    # EC (entorhinal) encoding: dense projection + sparsification
    ec = features @ W_ec
    ec = _sparsify(ec, SPARSITY)
    # DG (dentate gyrus) pattern separation: expand, rectify, sparsify, normalize
    dg = jax.nn.relu(ec @ W_dg)
    dg = _sparsify(dg, SPARSITY)
    dg = dg / (jnp.linalg.norm(dg, axis=-1, keepdims=True) + 1e-6)
    # CA3 episodic store: scatter-overwrite dg codes into memory slots (encode path)
    mem2 = mem.at[idx].set(dg)
    # CA3 pattern completion (recall path): similarity against all slots + top-k anchors
    sim = dg @ mem2.T  # [B, M]
    recall_vals, recall_idx = jax.lax.top_k(sim, RECALL_TOPK)
    return mem2, recall_vals, recall_idx

if __name__ == "__main__":
    import jax
    _d = setup_inputs()
    print(jax.jit(kernel)(*tuple(_d.values())))

</pallas_src>

<mosaic_0001>
#map = affine_map<(d0, d1) -> (0, 0)>
#map1 = affine_map<(d0, d1) -> (0)>
module attributes {stable_mosaic.version = 14 : i64} {
  func.func @new_body(%arg0: i32, %arg1: i32, %arg2: memref<1024x128xf32, #tpu.memory_space<hbm>>, %arg3: memref<1024xi32, #tpu.memory_space<hbm>>, %arg4: memref<1024xi32, #tpu.memory_space<hbm>>, %arg5: memref<100000x128xf32, #tpu.memory_space<hbm>>, %arg6: memref<100000x128xf32, #tpu.memory_space<hbm>>, %arg7: memref<32xi32, #tpu.memory_space<vmem>>, %arg8: memref<32xi32, #tpu.memory_space<vmem>>, %arg9: memref<32x128xf32, #tpu.memory_space<vmem>>, %arg10: memref<!tpu.dma_semaphore, #tpu.memory_space<semaphore_mem>>) attributes {dimension_semantics = [#tpu.dimension_semantics<core_parallel>, #tpu.dimension_semantics<subcore_parallel>], iteration_bounds = array<i64: 2, 16>, scalar_prefetch = 0 : i64, scratch_operands = 4 : i64, tpu.core_type = #tpu.core_type<sc_vector_subcore>, window_params = [{transform_indices = #map}, {transform_indices = #map1}, {transform_indices = #map1}, {transform_indices = #map}, {transform_indices = #map}]} {
    %mul3A = arith.constant 2 : i32
    %mul3A_0 = arith.muli %arg1, %mul3A : i32
    %add3A = arith.addi %mul3A_0, %arg0 : i32
    %mul3A_1 = arith.constant 32 : i32
    %mul3A_2 = arith.muli %add3A, %mul3A_1 : i32
    "tpu.region"() ({
      %run_scoped3A = tpu.sem_alloc : memref<!tpu.dma_semaphore, #tpu.memory_space<semaphore_mem>>
      %dma_start3A_13 = tpu.memref_slice %arg4[%mul3A_2] : memref<1024xi32, #tpu.memory_space<hbm>> -> memref<32xi32, #tpu.memory_space<hbm>>
      %dma_start3A_14 = tpu.memref_slice %arg4[%mul3A_2] : memref<1024xi32, #tpu.memory_space<hbm>> -> memref<32xi32, #tpu.memory_space<hbm>>
      tpu.enqueue_dma source(%dma_start3A_14 : memref<32xi32, #tpu.memory_space<hbm>>) target(%arg7 : memref<32xi32, #tpu.memory_space<vmem>>) target_semaphore(%run_scoped3A : memref<!tpu.dma_semaphore, #tpu.memory_space<semaphore_mem>>)
      %dma_wait3A_15 = tpu.memref_slice %arg4[%mul3A_2] : memref<1024xi32, #tpu.memory_space<hbm>> -> memref<32xi32, #tpu.memory_space<hbm>>
      %dma_wait3A_16 = tpu.memref_slice %arg4[%mul3A_2] : memref<1024xi32, #tpu.memory_space<hbm>> -> memref<32xi32, #tpu.memory_space<hbm>>
      tpu.wait_dma2 semaphore(%run_scoped3A : memref<!tpu.dma_semaphore, #tpu.memory_space<semaphore_mem>>) src(%dma_wait3A_16 : memref<32xi32, #tpu.memory_space<hbm>>) dst(%arg7 : memref<32xi32, #tpu.memory_space<vmem>>)
      tpu.yield
    }) : () -> ()
    "tpu.region"() ({
      %run_scoped3A = tpu.sem_alloc : memref<!tpu.dma_semaphore, #tpu.memory_space<semaphore_mem>>
      %dma_start3A_13 = tpu.memref_slice %arg3[%mul3A_2] : memref<1024xi32, #tpu.memory_space<hbm>> -> memref<32xi32, #tpu.memory_space<hbm>>
      %dma_start3A_14 = tpu.memref_slice %arg3[%mul3A_2] : memref<1024xi32, #tpu.memory_space<hbm>> -> memref<32xi32, #tpu.memory_space<hbm>>
      tpu.enqueue_dma source(%dma_start3A_14 : memref<32xi32, #tpu.memory_space<hbm>>) target(%arg8 : memref<32xi32, #tpu.memory_space<vmem>>) target_semaphore(%run_scoped3A : memref<!tpu.dma_semaphore, #tpu.memory_space<semaphore_mem>>)
      %dma_wait3A_15 = tpu.memref_slice %arg3[%mul3A_2] : memref<1024xi32, #tpu.memory_space<hbm>> -> memref<32xi32, #tpu.memory_space<hbm>>
      %dma_wait3A_16 = tpu.memref_slice %arg3[%mul3A_2] : memref<1024xi32, #tpu.memory_space<hbm>> -> memref<32xi32, #tpu.memory_space<hbm>>
      tpu.wait_dma2 semaphore(%run_scoped3A : memref<!tpu.dma_semaphore, #tpu.memory_space<semaphore_mem>>) src(%dma_wait3A_16 : memref<32xi32, #tpu.memory_space<hbm>>) dst(%arg8 : memref<32xi32, #tpu.memory_space<vmem>>)
      tpu.yield
    }) : () -> ()
    %dma_start3A = arith.constant 0 : i32
    %dma_start3A_3 = arith.constant 0 : i32
    %dma_start3A_4 = tpu.memref_slice %arg2[%dma_start3A, %dma_start3A_3] : memref<1024x128xf32, #tpu.memory_space<hbm>> -> memref<1024x128xf32, #tpu.memory_space<hbm>>
    tpu.enqueue_indirect_dma source(%dma_start3A_4 : memref<1024x128xf32, #tpu.memory_space<hbm>>) target(%arg9 : memref<32x128xf32, #tpu.memory_space<vmem>>) offsets(%arg8 : memref<32xi32, #tpu.memory_space<vmem>>) semaphore(%arg10 : memref<!tpu.dma_semaphore, #tpu.memory_space<semaphore_mem>>)
    %dma_wait3A = arith.constant 0 : i32
    %dma_wait3A_5 = arith.constant 0 : i32
    %dma_wait3A_6 = tpu.memref_slice %arg2[%dma_wait3A, %dma_wait3A_5] : memref<1024x128xf32, #tpu.memory_space<hbm>> -> memref<1024x128xf32, #tpu.memory_space<hbm>>
    tpu.wait_indirect_dma semaphore(%arg10 : memref<!tpu.dma_semaphore, #tpu.memory_space<semaphore_mem>>) src(%dma_wait3A_6 : memref<1024x128xf32, #tpu.memory_space<hbm>>) dst(%arg9 : memref<32x128xf32, #tpu.memory_space<vmem>>)
    %dma_start3A_7 = arith.constant 0 : i32
    %dma_start3A_8 = arith.constant 0 : i32
    %dma_start3A_9 = tpu.memref_slice %arg5[%dma_start3A_7, %dma_start3A_8] : memref<100000x128xf32, #tpu.memory_space<hbm>> -> memref<100000x128xf32, #tpu.memory_space<hbm>>
    tpu.enqueue_indirect_dma source(%arg9 : memref<32x128xf32, #tpu.memory_space<vmem>>) target(%dma_start3A_9 : memref<100000x128xf32, #tpu.memory_space<hbm>>) offsets(%arg7 : memref<32xi32, #tpu.memory_space<vmem>>) semaphore(%arg10 : memref<!tpu.dma_semaphore, #tpu.memory_space<semaphore_mem>>)
    %dma_wait3A_10 = arith.constant 0 : i32
    %dma_wait3A_11 = arith.constant 0 : i32
    %dma_wait3A_12 = tpu.memref_slice %arg5[%dma_wait3A_10, %dma_wait3A_11] : memref<100000x128xf32, #tpu.memory_space<hbm>> -> memref<100000x128xf32, #tpu.memory_space<hbm>>
    tpu.wait_indirect_dma semaphore(%arg10 : memref<!tpu.dma_semaphore, #tpu.memory_space<semaphore_mem>>) src(%arg9 : memref<32x128xf32, #tpu.memory_space<vmem>>) dst(%dma_wait3A_12 : memref<100000x128xf32, #tpu.memory_space<hbm>>)
    return
  }
}

module attributes {stable_mosaic.version = 14 : i64} {
  func.func @_encoder_body(%arg0: memref<1024x64xf32, #tpu.memory_space<vmem>>, %arg1: memref<64x128xf32, #tpu.memory_space<vmem>>, %arg2: memref<1024x1xi32, #tpu.memory_space<vmem>>, %arg3: memref<1x1024xi32, #tpu.memory_space<vmem>>, %arg4: memref<1024x128xf32, #tpu.memory_space<vmem>>, %arg5: memref<1024x1xi32, #tpu.memory_space<vmem>>) attributes {dimension_semantics = [], scalar_prefetch = 0 : i64, scratch_operands = 0 : i64, tpu.core_type = #tpu.core_type<tc>} {
    %get3A = arith.constant 0 : index
    %get3A_0 = arith.constant 0 : index
    %get3A_1 = vector.load %arg0[%get3A, %get3A_0] : memref<1024x64xf32, #tpu.memory_space<vmem>>, vector<1024x64xf32>
    %reduce_max3A = arith.constant dense<0xFF800000> : vector<1024xf32>
    %reduce_max3A_2 = vector.multi_reduction <maximumf>, %get3A_1, %reduce_max3A [1] : vector<1024x64xf32> to vector<1024xf32>
    %broadcast_in_dim3A = vector.shape_cast %reduce_max3A_2 : vector<1024xf32> to vector<1024x1xf32>
    %eq3A = vector.broadcast %broadcast_in_dim3A : vector<1024x1xf32> to vector<1024x64xf32>
    %eq3A_3 = arith.cmpf oeq, %get3A_1, %eq3A : vector<1024x64xf32>
    %convert_element_type3A = arith.extui %eq3A_3 : vector<1024x64xi1> to vector<1024x64xi32>
    %reduce_sum3A = arith.constant dense<0> : vector<1024xi32>
    %reduce_sum3A_4 = vector.multi_reduction <add>, %convert_element_type3A, %reduce_sum3A [1] : vector<1024x64xi32> to vector<1024xi32>
    %broadcast_in_dim3A_5 = vector.shape_cast %reduce_sum3A_4 : vector<1024xi32> to vector<1024x1xi32>
    %lt3A = vector.broadcast %broadcast_in_dim3A : vector<1024x1xf32> to vector<1024x64xf32>
    %lt3A_6 = arith.cmpf olt, %get3A_1, %lt3A : vector<1024x64xf32>
    %jit3A = arith.constant 0xFF800000 : f32
    %broadcast_in_dim3A_7 = vector.broadcast %jit3A : f32 to vector<1024x64xf32>
    %select_n3A = arith.select %lt3A_6, %get3A_1, %broadcast_in_dim3A_7 : vector<1024x64xi1>, vector<1024x64xf32>
    %reduce_max3A_8 = arith.constant dense<0xFF800000> : vector<1024xf32>
    %reduce_max3A_9 = vector.multi_reduction <maximumf>, %select_n3A, %reduce_max3A_8 [1] : vector<1024x64xf32> to vector<1024xf32>
    %broadcast_in_dim3A_10 = vector.shape_cast %reduce_max3A_9 : vector<1024xf32> to vector<1024x1xf32>
    %eq3A_11 = vector.broadcast %broadcast_in_dim3A_10 : vector<1024x1xf32> to vector<1024x64xf32>
    %eq3A_12 = arith.cmpf oeq, %get3A_1, %eq3A_11 : vector<1024x64xf32>
    %convert_element_type3A_13 = arith.extui %eq3A_12 : vector<1024x64xi1> to vector<1024x64xi32>
    %reduce_sum3A_14 = arith.constant dense<0> : vector<1024xi32>
    %reduce_sum3A_15 = vector.multi_reduction <add>, %convert_element_type3A_13, %reduce_sum3A_14 [1] : vector<1024x64xi32> to vector<1024xi32>
    %broadcast_in_dim3A_16 = vector.shape_cast %reduce_sum3A_15 : vector<1024xi32> to vector<1024x1xi32>
    %add3A = arith.addi %broadcast_in_dim3A_5, %broadcast_in_dim3A_16 : vector<1024x1xi32>
    %ge3A = arith.constant 3 : i32
    %ge3A_17 = vector.broadcast %ge3A : i32 to vector<1024x1xi32>
    %ge3A_18 = arith.cmpi sge, %broadcast_in_dim3A_5, %ge3A_17 : vector<1024x1xi32>
    %select_n3A_19 = arith.select %ge3A_18, %broadcast_in_dim3A, %broadcast_in_dim3A_10 : vector<1024x1xi1>, vector<1024x1xf32>
    %select_n3A_20 = arith.select %ge3A_18, %broadcast_in_dim3A_5, %add3A : vector<1024x1xi1>, vector<1024x1xi32>
    %lt3A_21 = vector.broadcast %select_n3A_19 : vector<1024x1xf32> to vector<1024x64xf32>
    %lt3A_22 = arith.cmpf olt, %get3A_1, %lt3A_21 : vector<1024x64xf32>
    %jit3A_23 = arith.constant 0xFF800000 : f32
    %broadcast_in_dim3A_24 = vector.broadcast %jit3A_23 : f32 to vector<1024x64xf32>
    %select_n3A_25 = arith.select %lt3A_22, %get3A_1, %broadcast_in_dim3A_24 : vector<1024x64xi1>, vector<1024x64xf32>
    %reduce_max3A_26 = arith.constant dense<0xFF800000> : vector<1024xf32>
    %reduce_max3A_27 = vector.multi_reduction <maximumf>, %select_n3A_25, %reduce_max3A_26 [1] : vector<1024x64xf32> to vector<1024xf32>
    %broadcast_in_dim3A_28 = vector.shape_cast %reduce_max3A_27 : vector<1024xf32> to vector<1024x1xf32>
    %ge3A_29 = arith.constant 3 : i32
    %ge3A_30 = vector.broadcast %ge3A_29 : i32 to vector<1024x1xi32>
    %ge3A_31 = arith.cmpi sge, %select_n3A_20, %ge3A_30 : vector<1024x1xi32>
    %select_n3A_32 = arith.select %ge3A_31, %select_n3A_19, %broadcast_in_dim3A_28 : vector<1024x1xi1>, vector<1024x1xf32>
    %ge3A_33 = vector.broadcast %select_n3A_32 : vector<1024x1xf32> to vector<1024x64xf32>
    %ge3A_34 = arith.cmpf oge, %get3A_1, %ge3A_33 : vector<1024x64xf32>
    %jit3A_35 = arith.constant 0.000000e+00 : f32
    %broadcast_in_dim3A_36 = vector.broadcast %jit3A_35 : f32 to vector<1024x64xf32>
    %select_n3A_37 = arith.select %ge3A_34, %get3A_1, %broadcast_in_dim3A_36 : vector<1024x64xi1>, vector<1024x64xf32>
    %get3A_38 = arith.constant 0 : index
    %get3A_39 = arith.constant 0 : index
    %get3A_40 = vector.load %arg1[%get3A_38, %get3A_39] : memref<64x128xf32, #tpu.memory_space<vmem>>, vector<64x128xf32>
    %dot_general3A = arith.constant dense<0.000000e+00> : vector<1024x128xf32>
    %dot_general3A_41 = tpu.matmul %select_n3A_37, %get3A_40, %dot_general3A {dimension_numbers = #tpu.dot_dimension_numbers<[1], [0], [0], [1], [0, 0, 1, 1], [], []>, transpose_lhs_hint = false} : vector<1024x64xf32>, vector<64x128xf32>, vector<1024x128xf32> -> vector<1024x128xf32>
    %max3A = arith.constant 0.000000e+00 : f32
    %max3A_42 = vector.broadcast %max3A : f32 to vector<1024x128xf32>
    %max3A_43 = arith.maximumf %dot_general3A_41, %max3A_42 : vector<1024x128xf32>
    %reduce_max3A_44 = arith.constant dense<0xFF800000> : vector<1024xf32>
    %reduce_max3A_45 = vector.multi_reduction <maximumf>, %max3A_43, %reduce_max3A_44 [1] : vector<1024x128xf32> to vector<1024xf32>
    %broadcast_in_dim3A_46 = vector.shape_cast %reduce_max3A_45 : vector<1024xf32> to vector<1024x1xf32>
    %eq3A_47 = vector.broadcast %broadcast_in_dim3A_46 : vector<1024x1xf32> to vector<1024x128xf32>
    %eq3A_48 = arith.cmpf oeq, %max3A_43, %eq3A_47 : vector<1024x128xf32>
    %convert_element_type3A_49 = arith.extui %eq3A_48 : vector<1024x128xi1> to vector<1024x128xi32>
    %reduce_sum3A_50 = arith.constant dense<0> : vector<1024xi32>
    %reduce_sum3A_51 = vector.multi_reduction <add>, %convert_element_type3A_49, %reduce_sum3A_50 [1] : vector<1024x128xi32> to vector<1024xi32>
    %broadcast_in_dim3A_52 = vector.shape_cast %reduce_sum3A_51 : vector<1024xi32> to vector<1024x1xi32>
    %lt3A_53 = vector.broadcast %broadcast_in_dim3A_46 : vector<1024x1xf32> to vector<1024x128xf32>
    %lt3A_54 = arith.cmpf olt, %max3A_43, %lt3A_53 : vector<1024x128xf32>
    %jit3A_55 = arith.constant 0xFF800000 : f32
    %broadcast_in_dim3A_56 = vector.broadcast %jit3A_55 : f32 to vector<1024x128xf32>
    %select_n3A_57 = arith.select %lt3A_54, %max3A_43, %broadcast_in_dim3A_56 : vector<1024x128xi1>, vector<1024x128xf32>
    %reduce_max3A_58 = arith.constant dense<0xFF800000> : vector<1024xf32>
    %reduce_max3A_59 = vector.multi_reduction <maximumf>, %select_n3A_57, %reduce_max3A_58 [1] : vector<1024x128xf32> to vector<1024xf32>
    %broadcast_in_dim3A_60 = vector.shape_cast %reduce_max3A_59 : vector<1024xf32> to vector<1024x1xf32>
    %eq3A_61 = vector.broadcast %broadcast_in_dim3A_60 : vector<1024x1xf32> to vector<1024x128xf32>
    %eq3A_62 = arith.cmpf oeq, %max3A_43, %eq3A_61 : vector<1024x128xf32>
    %convert_element_type3A_63 = arith.extui %eq3A_62 : vector<1024x128xi1> to vector<1024x128xi32>
    %reduce_sum3A_64 = arith.constant dense<0> : vector<1024xi32>
    %reduce_sum3A_65 = vector.multi_reduction <add>, %convert_element_type3A_63, %reduce_sum3A_64 [1] : vector<1024x128xi32> to vector<1024xi32>
    %broadcast_in_dim3A_66 = vector.shape_cast %reduce_sum3A_65 : vector<1024xi32> to vector<1024x1xi32>
    %add3A_67 = arith.addi %broadcast_in_dim3A_52, %broadcast_in_dim3A_66 : vector<1024x1xi32>
    %ge3A_68 = arith.constant 6 : i32
    %ge3A_69 = vector.broadcast %ge3A_68 : i32 to vector<1024x1xi32>
    %ge3A_70 = arith.cmpi sge, %broadcast_in_dim3A_52, %ge3A_69 : vector<1024x1xi32>
    %select_n3A_71 = arith.select %ge3A_70, %broadcast_in_dim3A_46, %broadcast_in_dim3A_60 : vector<1024x1xi1>, vector<1024x1xf32>
    %select_n3A_72 = arith.select %ge3A_70, %broadcast_in_dim3A_52, %add3A_67 : vector<1024x1xi1>, vector<1024x1xi32>
    %lt3A_73 = vector.broadcast %select_n3A_71 : vector<1024x1xf32> to vector<1024x128xf32>
    %lt3A_74 = arith.cmpf olt, %max3A_43, %lt3A_73 : vector<1024x128xf32>
    %jit3A_75 = arith.constant 0xFF800000 : f32
    %broadcast_in_dim3A_76 = vector.broadcast %jit3A_75 : f32 to vector<1024x128xf32>
    %select_n3A_77 = arith.select %lt3A_74, %max3A_43, %broadcast_in_dim3A_76 : vector<1024x128xi1>, vector<1024x128xf32>
    %reduce_max3A_78 = arith.constant dense<0xFF800000> : vector<1024xf32>
    %reduce_max3A_79 = vector.multi_reduction <maximumf>, %select_n3A_77, %reduce_max3A_78 [1] : vector<1024x128xf32> to vector<1024xf32>
    %broadcast_in_dim3A_80 = vector.shape_cast %reduce_max3A_79 : vector<1024xf32> to vector<1024x1xf32>
    %eq3A_81 = vector.broadcast %broadcast_in_dim3A_80 : vector<1024x1xf32> to vector<1024x128xf32>
    %eq3A_82 = arith.cmpf oeq, %max3A_43, %eq3A_81 : vector<1024x128xf32>
    %convert_element_type3A_83 = arith.extui %eq3A_82 : vector<1024x128xi1> to vector<1024x128xi32>
    %reduce_sum3A_84 = arith.constant dense<0> : vector<1024xi32>
    %reduce_sum3A_85 = vector.multi_reduction <add>, %convert_element_type3A_83, %reduce_sum3A_84 [1] : vector<1024x128xi32> to vector<1024xi32>
    %broadcast_in_dim3A_86 = vector.shape_cast %reduce_sum3A_85 : vector<1024xi32> to vector<1024x1xi32>
    %add3A_87 = arith.addi %select_n3A_72, %broadcast_in_dim3A_86 : vector<1024x1xi32>
    %ge3A_88 = arith.constant 6 : i32
    %ge3A_89 = vector.broadcast %ge3A_88 : i32 to vector<1024x1xi32>
    %ge3A_90 = arith.cmpi sge, %select_n3A_72, %ge3A_89 : vector<1024x1xi32>
    %select_n3A_91 = arith.select %ge3A_90, %select_n3A_71, %broadcast_in_dim3A_80 : vector<1024x1xi1>, vector<1024x1xf32>
    %select_n3A_92 = arith.select %ge3A_90, %select_n3A_72, %add3A_87 : vector<1024x1xi1>, vector<1024x1xi32>
    %lt3A_93 = vector.broadcast %select_n3A_91 : vector<1024x1xf32> to vector<1024x128xf32>
    %lt3A_94 = arith.cmpf olt, %max3A_43, %lt3A_93 : vector<1024x128xf32>
    %jit3A_95 = arith.constant 0xFF800000 : f32
    %broadcast_in_dim3A_96 = vector.broadcast %jit3A_95 : f32 to vector<1024x128xf32>
    %select_n3A_97 = arith.select %lt3A_94, %max3A_43, %broadcast_in_dim3A_96 : vector<1024x128xi1>, vector<1024x128xf32>
    %reduce_max3A_98 = arith.constant dense<0xFF800000> : vector<1024xf32>
    %reduce_max3A_99 = vector.multi_reduction <maximumf>, %select_n3A_97, %reduce_max3A_98 [1] : vector<1024x128xf32> to vector<1024xf32>
    %broadcast_in_dim3A_100 = vector.shape_cast %reduce_max3A_99 : vector<1024xf32> to vector<1024x1xf32>
    %eq3A_101 = vector.broadcast %broadcast_in_dim3A_100 : vector<1024x1xf32> to vector<1024x128xf32>
    %eq3A_102 = arith.cmpf oeq, %max3A_43, %eq3A_101 : vector<1024x128xf32>
    %convert_element_type3A_103 = arith.extui %eq3A_102 : vector<1024x128xi1> to vector<1024x128xi32>
    %reduce_sum3A_104 = arith.constant dense<0> : vector<1024xi32>
    %reduce_sum3A_105 = vector.multi_reduction <add>, %convert_element_type3A_103, %reduce_sum3A_104 [1] : vector<1024x128xi32> to vector<1024xi32>
    %broadcast_in_dim3A_106 = vector.shape_cast %reduce_sum3A_105 : vector<1024xi32> to vector<1024x1xi32>
    %add3A_107 = arith.addi %select_n3A_92, %broadcast_in_dim3A_106 : vector<1024x1xi32>
    %ge3A_108 = arith.constant 6 : i32
    %ge3A_109 = vector.broadcast %ge3A_108 : i32 to vector<1024x1xi32>
    %ge3A_110 = arith.cmpi sge, %select_n3A_92, %ge3A_109 : vector<1024x1xi32>
    %select_n3A_111 = arith.select %ge3A_110, %select_n3A_91, %broadcast_in_dim3A_100 : vector<1024x1xi1>, vector<1024x1xf32>
    %select_n3A_112 = arith.select %ge3A_110, %select_n3A_92, %add3A_107 : vector<1024x1xi1>, vector<1024x1xi32>
    %lt3A_113 = vector.broadcast %select_n3A_111 : vector<1024x1xf32> to vector<1024x128xf32>
    %lt3A_114 = arith.cmpf olt, %max3A_43, %lt3A_113 : vector<1024x128xf32>
    %jit3A_115 = arith.constant 0xFF800000 : f32
    %broadcast_in_dim3A_116 = vector.broadcast %jit3A_115 : f32 to vector<1024x128xf32>
    %select_n3A_117 = arith.select %lt3A_114, %max3A_43, %broadcast_in_dim3A_116 : vector<1024x128xi1>, vector<1024x128xf32>
    %reduce_max3A_118 = arith.constant dense<0xFF800000> : vector<1024xf32>
    %reduce_max3A_119 = vector.multi_reduction <maximumf>, %select_n3A_117, %reduce_max3A_118 [1] : vector<1024x128xf32> to vector<1024xf32>
    %broadcast_in_dim3A_120 = vector.shape_cast %reduce_max3A_119 : vector<1024xf32> to vector<1024x1xf32>
    %eq3A_121 = vector.broadcast %broadcast_in_dim3A_120 : vector<1024x1xf32> to vector<1024x128xf32>
    %eq3A_122 = arith.cmpf oeq, %max3A_43, %eq3A_121 : vector<1024x128xf32>
    %convert_element_type3A_123 = arith.extui %eq3A_122 : vector<1024x128xi1> to vector<1024x128xi32>
    %reduce_sum3A_124 = arith.constant dense<0> : vector<1024xi32>
    %reduce_sum3A_125 = vector.multi_reduction <add>, %convert_element_type3A_123, %reduce_sum3A_124 [1] : vector<1024x128xi32> to vector<1024xi32>
    %broadcast_in_dim3A_126 = vector.shape_cast %reduce_sum3A_125 : vector<1024xi32> to vector<1024x1xi32>
    %add3A_127 = arith.addi %select_n3A_112, %broadcast_in_dim3A_126 : vector<1024x1xi32>
    %ge3A_128 = arith.constant 6 : i32
    %ge3A_129 = vector.broadcast %ge3A_128 : i32 to vector<1024x1xi32>
    %ge3A_130 = arith.cmpi sge, %select_n3A_112, %ge3A_129 : vector<1024x1xi32>
    %select_n3A_131 = arith.select %ge3A_130, %select_n3A_111, %broadcast_in_dim3A_120 : vector<1024x1xi1>, vector<1024x1xf32>
    %select_n3A_132 = arith.select %ge3A_130, %select_n3A_112, %add3A_127 : vector<1024x1xi1>, vector<1024x1xi32>
    %lt3A_133 = vector.broadcast %select_n3A_131 : vector<1024x1xf32> to vector<1024x128xf32>
    %lt3A_134 = arith.cmpf olt, %max3A_43, %lt3A_133 : vector<1024x128xf32>
    %jit3A_135 = arith.constant 0xFF800000 : f32
    %broadcast_in_dim3A_136 = vector.broadcast %jit3A_135 : f32 to vector<1024x128xf32>
    %select_n3A_137 = arith.select %lt3A_134, %max3A_43, %broadcast_in_dim3A_136 : vector<1024x128xi1>, vector<1024x128xf32>
    %reduce_max3A_138 = arith.constant dense<0xFF800000> : vector<1024xf32>
    %reduce_max3A_139 = vector.multi_reduction <maximumf>, %select_n3A_137, %reduce_max3A_138 [1] : vector<1024x128xf32> to vector<1024xf32>
    %broadcast_in_dim3A_140 = vector.shape_cast %reduce_max3A_139 : vector<1024xf32> to vector<1024x1xf32>
    %ge3A_141 = arith.constant 6 : i32
    %ge3A_142 = vector.broadcast %ge3A_141 : i32 to vector<1024x1xi32>
    %ge3A_143 = arith.cmpi sge, %select_n3A_132, %ge3A_142 : vector<1024x1xi32>
    %select_n3A_144 = arith.select %ge3A_143, %select_n3A_131, %broadcast_in_dim3A_140 : vector<1024x1xi1>, vector<1024x1xf32>
    %ge3A_145 = vector.broadcast %select_n3A_144 : vector<1024x1xf32> to vector<1024x128xf32>
    %ge3A_146 = arith.cmpf oge, %max3A_43, %ge3A_145 : vector<1024x128xf32>
    %jit3A_147 = arith.constant 0.000000e+00 : f32
    %broadcast_in_dim3A_148 = vector.broadcast %jit3A_147 : f32 to vector<1024x128xf32>
    %select_n3A_149 = arith.select %ge3A_146, %max3A_43, %broadcast_in_dim3A_148 : vector<1024x128xi1>, vector<1024x128xf32>
    %swap3A = arith.constant 0 : index
    %swap3A_150 = arith.constant 0 : index
    %swap3A_151 = vector.load %arg4[%swap3A, %swap3A_150] : memref<1024x128xf32, #tpu.memory_space<vmem>>, vector<1024x128xf32>
    tpu.vector_store %arg4[%swap3A, %swap3A_150], %select_n3A_149 {strides = array<i32>} : memref<1024x128xf32, #tpu.memory_space<vmem>>, vector<1024x128xf32>,
    %get3A_152 = arith.constant 0 : index
    %get3A_153 = arith.constant 0 : index
    %get3A_154 = vector.load %arg2[%get3A_152, %get3A_153] : memref<1024x1xi32, #tpu.memory_space<vmem>>, vector<1024x1xi32>
    %get3A_155 = arith.constant 0 : index
    %get3A_156 = arith.constant 0 : index
    %get3A_157 = vector.load %arg3[%get3A_155, %get3A_156] : memref<1x1024xi32, #tpu.memory_space<vmem>>, vector<1x1024xi32>
    %eq3A_158 = vector.broadcast %get3A_154 : vector<1024x1xi32> to vector<1024x1024xi32>
    %eq3A_159 = vector.broadcast %get3A_157 : vector<1x1024xi32> to vector<1024x1024xi32>
    %eq3A_160 = arith.cmpi eq, %eq3A_158, %eq3A_159 : vector<1024x1024xi32>
    %iota3A = tpu.iota {dimensions = array<i32: 1>} : vector<1024x1024xi32>
    %jit3A_161 = arith.constant -1 : i32
    %broadcast_in_dim3A_162 = vector.broadcast %jit3A_161 : i32 to vector<1024x1024xi32>
    %select_n3A_163 = arith.select %eq3A_160, %iota3A, %broadcast_in_dim3A_162 : vector<1024x1024xi1>, vector<1024x1024xi32>
    %reduce_max3A_164 = arith.constant dense<-2147483648> : vector<1024xi32>
    %reduce_max3A_165 = vector.multi_reduction <maxsi>, %select_n3A_163, %reduce_max3A_164 [1] : vector<1024x1024xi32> to vector<1024xi32>
    %broadcast_in_dim3A_166 = vector.shape_cast %reduce_max3A_165 : vector<1024xi32> to vector<1024x1xi32>
    %swap3A_167 = arith.constant 0 : index
    %swap3A_168 = arith.constant 0 : index
    %swap3A_169 = vector.load %arg5[%swap3A_167, %swap3A_168] : memref<1024x1xi32, #tpu.memory_space<vmem>>, vector<1024x1xi32>
    tpu.vector_store %arg5[%swap3A_167, %swap3A_168], %broadcast_in_dim3A_166 {strides = array<i32>} : memref<1024x1xi32, #tpu.memory_space<vmem>>, vector<1024x1xi32>,
    return
  }
}

module attributes {stable_mosaic.version = 14 : i64} {
  func.func @_simtopk_body(%arg0: i32, %arg1: memref<1024x128xf32, #tpu.memory_space<vmem>>, %arg2: memref<5000x128xf32, #tpu.memory_space<vmem>>, %arg3: memref<5000x1xf32, #tpu.memory_space<vmem>>, %arg4: memref<2x1024xf32, #tpu.memory_space<vmem>>, %arg5: memref<2x1024xi32, #tpu.memory_space<vmem>>, %arg6: memref<1x1024xf32, #tpu.memory_space<vmem>>, %arg7: memref<1x1024xi32, #tpu.memory_space<vmem>>, %arg8: memref<1x1024xf32, #tpu.memory_space<vmem>>, %arg9: memref<1x1024xi32, #tpu.memory_space<vmem>>) attributes {dimension_semantics = [#tpu.dimension_semantics<arbitrary>], iteration_bounds = array<i64: 20>, scalar_prefetch = 0 : i64, scratch_operands = 4 : i64, tpu.core_type = #tpu.core_type<tc>, window_params = [{pipeline_mode = #tpu.pipeline_mode<synchronous>, transform_indices = @transform_0, window_bounds = array<i64: 1024, 128>}, {transform_indices = @transform_1, window_bounds = array<i64: 5000, 128>}, {pipeline_mode = #tpu.pipeline_mode<synchronous>, transform_indices = @transform_2, window_bounds = array<i64: 5000, 1>}, {pipeline_mode = #tpu.pipeline_mode<synchronous>, transform_indices = @transform_3, window_bounds = array<i64: 2, 1024>}, {pipeline_mode = #tpu.pipeline_mode<synchronous>, transform_indices = @transform_4, window_bounds = array<i64: 2, 1024>}]} {
    %eq3A = arith.constant 0 : i32
    %eq3A_0 = arith.cmpi eq, %arg0, %eq3A : i32
    %convert_element_type3A = arith.extui %eq3A_0 : i1 to i32
    %cond3A = arith.constant 0 : i32
    %cond3A_1 = arith.cmpi ne, %convert_element_type3A, %cond3A : i32
    scf.if %cond3A_1 {
      %broadcast_in_dim3A_86 = arith.constant 0xFF800000 : f32
      %broadcast_in_dim3A_87 = vector.broadcast %broadcast_in_dim3A_86 : f32 to vector<1x1024xf32>
      %swap3A_88 = arith.constant 0 : index
      %swap3A_89 = arith.constant 0 : index
      %swap3A_90 = vector.load %arg6[%swap3A_88, %swap3A_89] : memref<1x1024xf32, #tpu.memory_space<vmem>>, vector<1x1024xf32>
      tpu.vector_store %arg6[%swap3A_88, %swap3A_89], %broadcast_in_dim3A_87 {strides = array<i32>} : memref<1x1024xf32, #tpu.memory_space<vmem>>, vector<1x1024xf32>,
      %broadcast_in_dim3A_91 = arith.constant 0xFF800000 : f32
      %broadcast_in_dim3A_92 = vector.broadcast %broadcast_in_dim3A_91 : f32 to vector<1x1024xf32>
      %swap3A_93 = arith.constant 0 : index
      %swap3A_94 = arith.constant 0 : index
      %swap3A_95 = vector.load %arg8[%swap3A_93, %swap3A_94] : memref<1x1024xf32, #tpu.memory_space<vmem>>, vector<1x1024xf32>
      tpu.vector_store %arg8[%swap3A_93, %swap3A_94], %broadcast_in_dim3A_92 {strides = array<i32>} : memref<1x1024xf32, #tpu.memory_space<vmem>>, vector<1x1024xf32>,
      %broadcast_in_dim3A_96 = arith.constant 0 : i32
      %broadcast_in_dim3A_97 = vector.broadcast %broadcast_in_dim3A_96 : i32 to vector<1x1024xi32>
      %swap3A_98 = arith.constant 0 : index
      %swap3A_99 = arith.constant 0 : index
      %swap3A_100 = vector.load %arg7[%swap3A_98, %swap3A_99] : memref<1x1024xi32, #tpu.memory_space<vmem>>, vector<1x1024xi32>
      tpu.vector_store %arg7[%swap3A_98, %swap3A_99], %broadcast_in_dim3A_97 {strides = array<i32>} : memref<1x1024xi32, #tpu.memory_space<vmem>>, vector<1x1024xi32>,
      %broadcast_in_dim3A_101 = arith.constant 0 : i32
      %broadcast_in_dim3A_102 = vector.broadcast %broadcast_in_dim3A_101 : i32 to vector<1x1024xi32>
      %swap3A_103 = arith.constant 0 : index
      %swap3A_104 = arith.constant 0 : index
      %swap3A_105 = vector.load %arg9[%swap3A_103, %swap3A_104] : memref<1x1024xi32, #tpu.memory_space<vmem>>, vector<1x1024xi32>
      tpu.vector_store %arg9[%swap3A_103, %swap3A_104], %broadcast_in_dim3A_102 {strides = array<i32>} : memref<1x1024xi32, #tpu.memory_space<vmem>>, vector<1x1024xi32>,
    } else {
    }
    %get3A = arith.constant 0 : index
    %get3A_2 = arith.constant 0 : index
    %get3A_3 = vector.load %arg2[%get3A, %get3A_2] : memref<5000x128xf32, #tpu.memory_space<vmem>>, vector<5000x128xf32>
    %get3A_4 = arith.constant 0 : index
    %get3A_5 = arith.constant 0 : index
    %get3A_6 = vector.load %arg1[%get3A_4, %get3A_5] : memref<1024x128xf32, #tpu.memory_space<vmem>>, vector<1024x128xf32>
    %dot_general3A = arith.constant dense<0.000000e+00> : vector<5000x1024xf32>
    %dot_general3A_7 = tpu.matmul %get3A_3, %get3A_6, %dot_general3A {dimension_numbers = #tpu.dot_dimension_numbers<[1], [1], [0], [0], [0, 0, 1, 0], [], []>, transpose_lhs_hint = false} : vector<5000x128xf32>, vector<1024x128xf32>, vector<5000x1024xf32> -> vector<5000x1024xf32>
    %get3A_8 = arith.constant 0 : index
    %get3A_9 = arith.constant 0 : index
    %get3A_10 = vector.load %arg3[%get3A_8, %get3A_9] : memref<5000x1xf32, #tpu.memory_space<vmem>>, vector<5000x1xf32>
    %reduce_max3A = arith.constant dense<0xFF800000> : vector<1024xf32>
    %reduce_max3A_11 = vector.multi_reduction <maximumf>, %dot_general3A_7, %reduce_max3A [0] : vector<5000x1024xf32> to vector<1024xf32>
    %broadcast_in_dim3A = vector.shape_cast %reduce_max3A_11 : vector<1024xf32> to vector<1x1024xf32>
    %eq3A_12 = vector.broadcast %broadcast_in_dim3A : vector<1x1024xf32> to vector<5000x1024xf32>
    %eq3A_13 = arith.cmpf oeq, %dot_general3A_7, %eq3A_12 : vector<5000x1024xf32>
    %jit3A = arith.constant 3.000000e+09 : f32
    %broadcast_in_dim3A_14 = vector.shape_cast %get3A_10 : vector<5000x1xf32> to vector<5000x1xf32>
    %broadcast_in_dim3A_15 = vector.broadcast %broadcast_in_dim3A_14 : vector<5000x1xf32> to vector<5000x1024xf32>
    %broadcast_in_dim3A_16 = vector.broadcast %jit3A : f32 to vector<5000x1024xf32>
    %select_n3A = arith.select %eq3A_13, %broadcast_in_dim3A_15, %broadcast_in_dim3A_16 : vector<5000x1024xi1>, vector<5000x1024xf32>
    %reduce_min3A = arith.constant dense<0x7F800000> : vector<1024xf32>
    %reduce_min3A_17 = vector.multi_reduction <minimumf>, %select_n3A, %reduce_min3A [0] : vector<5000x1024xf32> to vector<1024xf32>
    %broadcast_in_dim3A_18 = vector.shape_cast %reduce_min3A_17 : vector<1024xf32> to vector<1x1024xf32>
    %eq3A_19 = vector.broadcast %get3A_10 : vector<5000x1xf32> to vector<5000x1024xf32>
    %eq3A_20 = vector.broadcast %broadcast_in_dim3A_18 : vector<1x1024xf32> to vector<5000x1024xf32>
    %eq3A_21 = arith.cmpf oeq, %eq3A_19, %eq3A_20 : vector<5000x1024xf32>
    %jit3A_22 = arith.constant 0xFF800000 : f32
    %broadcast_in_dim3A_23 = vector.broadcast %jit3A_22 : f32 to vector<5000x1024xf32>
    %select_n3A_24 = arith.select %eq3A_21, %broadcast_in_dim3A_23, %dot_general3A_7 : vector<5000x1024xi1>, vector<5000x1024xf32>
    %reduce_max3A_25 = arith.constant dense<0xFF800000> : vector<1024xf32>
    %reduce_max3A_26 = vector.multi_reduction <maximumf>, %select_n3A_24, %reduce_max3A_25 [0] : vector<5000x1024xf32> to vector<1024xf32>
    %broadcast_in_dim3A_27 = vector.shape_cast %reduce_max3A_26 : vector<1024xf32> to vector<1x1024xf32>
    %eq3A_28 = vector.broadcast %broadcast_in_dim3A_27 : vector<1x1024xf32> to vector<5000x1024xf32>
    %eq3A_29 = arith.cmpf oeq, %select_n3A_24, %eq3A_28 : vector<5000x1024xf32>
    %jit3A_30 = arith.constant 3.000000e+09 : f32
    %broadcast_in_dim3A_31 = vector.shape_cast %get3A_10 : vector<5000x1xf32> to vector<5000x1xf32>
    %broadcast_in_dim3A_32 = vector.broadcast %broadcast_in_dim3A_31 : vector<5000x1xf32> to vector<5000x1024xf32>
    %broadcast_in_dim3A_33 = vector.broadcast %jit3A_30 : f32 to vector<5000x1024xf32>
    %select_n3A_34 = arith.select %eq3A_29, %broadcast_in_dim3A_32, %broadcast_in_dim3A_33 : vector<5000x1024xi1>, vector<5000x1024xf32>
    %reduce_min3A_35 = arith.constant dense<0x7F800000> : vector<1024xf32>
    %reduce_min3A_36 = vector.multi_reduction <minimumf>, %select_n3A_34, %reduce_min3A_35 [0] : vector<5000x1024xf32> to vector<1024xf32>
    %broadcast_in_dim3A_37 = vector.shape_cast %reduce_min3A_36 : vector<1024xf32> to vector<1x1024xf32>
    %mul3A = arith.constant 5000 : i32
    %mul3A_38 = arith.muli %arg0, %mul3A : i32
    %convert_element_type3A_39 = arith.fptosi %broadcast_in_dim3A_18 : vector<1x1024xf32> to vector<1x1024xi32>
    %add3A = vector.broadcast %mul3A_38 : i32 to vector<1x1024xi32>
    %add3A_40 = arith.addi %add3A, %convert_element_type3A_39 : vector<1x1024xi32>
    %mul3A_41 = arith.constant 5000 : i32
    %mul3A_42 = arith.muli %arg0, %mul3A_41 : i32
    %convert_element_type3A_43 = arith.fptosi %broadcast_in_dim3A_37 : vector<1x1024xf32> to vector<1x1024xi32>
    %add3A_44 = vector.broadcast %mul3A_42 : i32 to vector<1x1024xi32>
    %add3A_45 = arith.addi %add3A_44, %convert_element_type3A_43 : vector<1x1024xi32>
    %get3A_46 = arith.constant 0 : index
    %get3A_47 = arith.constant 0 : index
    %get3A_48 = vector.load %arg6[%get3A_46, %get3A_47] : memref<1x1024xf32, #tpu.memory_space<vmem>>, vector<1x1024xf32>
    %get3A_49 = arith.constant 0 : index
    %get3A_50 = arith.constant 0 : index
    %get3A_51 = vector.load %arg8[%get3A_49, %get3A_50] : memref<1x1024xf32, #tpu.memory_space<vmem>>, vector<1x1024xf32>
    %get3A_52 = arith.constant 0 : index
    %get3A_53 = arith.constant 0 : index
    %get3A_54 = vector.load %arg7[%get3A_52, %get3A_53] : memref<1x1024xi32, #tpu.memory_space<vmem>>, vector<1x1024xi32>
    %get3A_55 = arith.constant 0 : index
    %get3A_56 = arith.constant 0 : index
    %get3A_57 = vector.load %arg9[%get3A_55, %get3A_56] : memref<1x1024xi32, #tpu.memory_space<vmem>>, vector<1x1024xi32>
    %gt3A = arith.cmpf ogt, %broadcast_in_dim3A, %get3A_48 : vector<1x1024xf32>
    %select_n3A_58 = arith.select %gt3A, %broadcast_in_dim3A, %get3A_48 : vector<1x1024xi1>, vector<1x1024xf32>
    %select_n3A_59 = arith.select %gt3A, %add3A_40, %get3A_54 : vector<1x1024xi1>, vector<1x1024xi32>
    %select_n3A_60 = arith.select %gt3A, %get3A_48, %broadcast_in_dim3A : vector<1x1024xi1>, vector<1x1024xf32>
    %select_n3A_61 = arith.select %gt3A, %get3A_54, %add3A_40 : vector<1x1024xi1>, vector<1x1024xi32>
    %gt3A_62 = arith.cmpf ogt, %broadcast_in_dim3A_27, %get3A_51 : vector<1x1024xf32>
    %select_n3A_63 = arith.select %gt3A_62, %broadcast_in_dim3A_27, %get3A_51 : vector<1x1024xi1>, vector<1x1024xf32>
    %gt3A_64 = arith.cmpf ogt, %broadcast_in_dim3A_27, %get3A_51 : vector<1x1024xf32>
    %select_n3A_65 = arith.select %gt3A_64, %add3A_45, %get3A_57 : vector<1x1024xi1>, vector<1x1024xi32>
    %gt3A_66 = arith.cmpf ogt, %select_n3A_60, %select_n3A_63 : vector<1x1024xf32>
    %eq3A_67 = arith.cmpf oeq, %select_n3A_60, %select_n3A_63 : vector<1x1024xf32>
    %lt3A = arith.cmpi slt, %select_n3A_61, %select_n3A_65 : vector<1x1024xi32>
    %and3A = arith.andi %eq3A_67, %lt3A : vector<1x1024xi1>
    %or3A = arith.ori %gt3A_66, %and3A : vector<1x1024xi1>
    %select_n3A_68 = arith.select %or3A, %select_n3A_60, %select_n3A_63 : vector<1x1024xi1>, vector<1x1024xf32>
    %select_n3A_69 = arith.select %or3A, %select_n3A_61, %select_n3A_65 : vector<1x1024xi1>, vector<1x1024xi32>
    %swap3A = arith.constant 0 : index
    %swap3A_70 = arith.constant 0 : index
    %swap3A_71 = vector.load %arg6[%swap3A, %swap3A_70] : memref<1x1024xf32, #tpu.memory_space<vmem>>, vector<1x1024xf32>
    tpu.vector_store %arg6[%swap3A, %swap3A_70], %select_n3A_58 {strides = array<i32>} : memref<1x1024xf32, #tpu.memory_space<vmem>>, vector<1x1024xf32>,
    %swap3A_72 = arith.constant 0 : index
    %swap3A_73 = arith.constant 0 : index
    %swap3A_74 = vector.load %arg7[%swap3A_72, %swap3A_73] : memref<1x1024xi32, #tpu.memory_space<vmem>>, vector<1x1024xi32>
    tpu.vector_store %arg7[%swap3A_72, %swap3A_73], %select_n3A_59 {strides = array<i32>} : memref<1x1024xi32, #tpu.memory_space<vmem>>, vector<1x1024xi32>,
    %swap3A_75 = arith.constant 0 : index
    %swap3A_76 = arith.constant 0 : index
    %swap3A_77 = vector.load %arg8[%swap3A_75, %swap3A_76] : memref<1x1024xf32, #tpu.memory_space<vmem>>, vector<1x1024xf32>
    tpu.vector_store %arg8[%swap3A_75, %swap3A_76], %select_n3A_68 {strides = array<i32>} : memref<1x1024xf32, #tpu.memory_space<vmem>>, vector<1x1024xf32>,
    %swap3A_78 = arith.constant 0 : index
    %swap3A_79 = arith.constant 0 : index
    %swap3A_80 = vector.load %arg9[%swap3A_78, %swap3A_79] : memref<1x1024xi32, #tpu.memory_space<vmem>>, vector<1x1024xi32>
    tpu.vector_store %arg9[%swap3A_78, %swap3A_79], %select_n3A_69 {strides = array<i32>} : memref<1x1024xi32, #tpu.memory_space<vmem>>, vector<1x1024xi32>,
    %eq3A_81 = arith.constant 19 : i32
    %eq3A_82 = arith.cmpi eq, %arg0, %eq3A_81 : i32
    %convert_element_type3A_83 = arith.extui %eq3A_82 : i1 to i32
    %cond3A_84 = arith.constant 0 : i32
    %cond3A_85 = arith.cmpi ne, %convert_element_type3A_83, %cond3A_84 : i32
    scf.if %cond3A_85 {
      %get3A_86 = arith.constant 0 : index
      %get3A_87 = arith.constant 0 : index
      %get3A_88 = vector.load %arg6[%get3A_86, %get3A_87] : memref<1x1024xf32, #tpu.memory_space<vmem>>, vector<1x1024xf32>
      %get3A_89 = arith.constant 0 : index
      %get3A_90 = arith.constant 0 : index
      %get3A_91 = vector.load %arg8[%get3A_89, %get3A_90] : memref<1x1024xf32, #tpu.memory_space<vmem>>, vector<1x1024xf32>
      %concatenate3A = tpu.concatenate %get3A_88, %get3A_91 in 0 : vector<1x1024xf32>, vector<1x1024xf32> -> vector<2x1024xf32>
      %swap3A_92 = arith.constant 0 : index
      %swap3A_93 = arith.constant 0 : index
      %swap3A_94 = vector.load %arg4[%swap3A_92, %swap3A_93] : memref<2x1024xf32, #tpu.memory_space<vmem>>, vector<2x1024xf32>
      tpu.vector_store %arg4[%swap3A_92, %swap3A_93], %concatenate3A {strides = array<i32>} : memref<2x1024xf32, #tpu.memory_space<vmem>>, vector<2x1024xf32>,
      %get3A_95 = arith.constant 0 : index
      %get3A_96 = arith.constant 0 : index
      %get3A_97 = vector.load %arg7[%get3A_95, %get3A_96] : memref<1x1024xi32, #tpu.memory_space<vmem>>, vector<1x1024xi32>
      %get3A_98 = arith.constant 0 : index
      %get3A_99 = arith.constant 0 : index
      %get3A_100 = vector.load %arg9[%get3A_98, %get3A_99] : memref<1x1024xi32, #tpu.memory_space<vmem>>, vector<1x1024xi32>
      %concatenate3A_101 = tpu.concatenate %get3A_97, %get3A_100 in 0 : vector<1x1024xi32>, vector<1x1024xi32> -> vector<2x1024xi32>
      %swap3A_102 = arith.constant 0 : index
      %swap3A_103 = arith.constant 0 : index
      %swap3A_104 = vector.load %arg5[%swap3A_102, %swap3A_103] : memref<2x1024xi32, #tpu.memory_space<vmem>>, vector<2x1024xi32>
      tpu.vector_store %arg5[%swap3A_102, %swap3A_103], %concatenate3A_101 {strides = array<i32>} : memref<2x1024xi32, #tpu.memory_space<vmem>>, vector<2x1024xi32>,
    } else {
    }
    return
  }
  func.func @transform_0(%arg0: i32) -> (i32, i32) {
    %c0_i32 = arith.constant 0 : i32
    %c0_i32_0 = arith.constant 0 : i32
    %c0_i32_1 = arith.constant 0 : i32
    return %c0_i32, %c0_i32_0 : i32, i32
  }
  func.func @transform_1(%arg0: i32) -> (i32, i32) {
    %c0_i32 = arith.constant 0 : i32
    %c0_i32_0 = arith.constant 0 : i32
    return %arg0, %c0_i32 : i32, i32
  }
  func.func @transform_2(%arg0: i32) -> (i32, i32) {
    %c0_i32 = arith.constant 0 : i32
    %c0_i32_0 = arith.constant 0 : i32
    %c0_i32_1 = arith.constant 0 : i32
    return %c0_i32, %c0_i32_0 : i32, i32
  }
  func.func @transform_3(%arg0: i32) -> (i32, i32) {
    %c0_i32 = arith.constant 0 : i32
    %c0_i32_0 = arith.constant 0 : i32
    %c0_i32_1 = arith.constant 0 : i32
    return %c0_i32, %c0_i32_0 : i32, i32
  }
  func.func @transform_4(%arg0: i32) -> (i32, i32) {
    %c0_i32 = arith.constant 0 : i32
    %c0_i32_0 = arith.constant 0 : i32
    %c0_i32_1 = arith.constant 0 : i32
    return %c0_i32, %c0_i32_0 : i32, i32
  }
}

</mosaic_0001>

<sc_bundles>
// kernel: kernel.5.cloned.1.call-start
scs
__scs_entry_jumppad:
0x0: {  	(pc) =	sbr.rel $0x88, $3  }
0x1: {  	(tag) =	ssettag $0x0;
	lr =	simm.s32 $0x1  }
0x2: {  	[smem:$0x3F9C] =	sst lr;
	_ =	strace $0xD0000000  }
0x3: {  	_ = 	snop  }
0x4: {  	_ = 	snop  }
0x5: {  	_ = 	snop  }
0x6: {  	_ = 	snop  }
0x7: {  	_ = 	snop  }
__scs_overlays_trampoline_lowered:
0x8: {  	[smem:$0x3FAB] =	sst s0  }
0x9: {  	[smem:$0x3FAC] =	sst s1  }
0xa: {  	[smem:$0x3FAD] =	sst s2  }
0xb: {  	[smem:$0x3FAE] =	sst s3  }
0xc: {  	[smem:$0x3FAF] =	sst s4  }
0xd: {  	[smem:$0x3FB0] =	sst s5  }
0xe: {  	[smem:$0x3FB1] =	sst s6  }
0xf: {  	[smem:$0x3FB2] =	sst s7  }
0x10: {  	[smem:$0x3FB3] =	sst s8  }
0x11: {  	[smem:$0x3FB4] =	sst s9;
	s0 =	simm.s32 @!p0 $0x0  }
0x12: {  	s1 =	sld [smem:$0x3F9A];
	s0 =	simm.s32 @p0 $0x1  }
0x13: {  	[smem:$0x3FB5] =	sst s0;
	s0 =	simm.s32 @!p1 $0x0  }
0x14: {  	s2 =	sld [smem:$0x3F99];
	s0 =	simm.s32 @p1 $0x1  }
0x15: {  	[smem:$0x3FB6] =	sst s0;
	s0 =	simm.s32 @!p2 $0x0  }
0x16: {  	s3 =	sld [smem:$0x3FDB];
	s0 =	simm.s32 @p2 $0x1  }
0x17: {  	s4 =	simm.s32 $0x1BF5;
	[smem:$0x3FB8] =	sst s0  }
0x18: {  	s0 =	sld [smem:$0x3F9B];
	_ =	swait.ge [sflag:s4], $0x0  }
0x19: {  	s7 =	sld [smem:$0x3F9C]  }
0x1a: {  	s8 =	sadd.s32 $0xFFFFE003, lr  }
0x1b: {  	s9 =	sadd.s32 $0xFFFFFEF7, lr;
	s5 =	simm.s32 $0xFFFFFFFF;
	p2 =	slt.u32 s8, $0xFFFFF086  }
0x1c: {  	p1 =	slt.u32 s9, $0xF7A;
	s5 =	simm.s32 @!p2 $0x0  }
0x1d: {  	s5 =	simm.s32 @p1 $0x1;
	p0 =	seq.s32 s7, s2  }
0x1e: {  	s7 =	smul.u32 @!p0 $0xF7A, s2;
	p2 =	seq.s32 @!p0 s5, $0x0  }
0x1f: {  	s9 =	smul.u32 $0xF7A, s1;
	s8 =	simm.s32 @!p0 $0x1BF5;
	p2 =	por !p2, p0  }
0x20: {  	[sflag:s8] =	ssyncset.s32 @!p0 $0xFFFFF086;
	s6 =	sadd.s32 @!p0 s3, s7;
	s7 =	simm.s32 @!p0 $0x108  }
0x21: {  	s3 =	sadd.s32 s3, s9;
	s6 =	sadd.s32 @!p0 $0x88, s6;
	s7 =	simm.s32 @p2 $0x1082  }
0x22: {  	[simem:s7], [sflag:s8] =	dma.local @!p0 [hbm:s6], $0xF7A  }
0x23: {  	s9 =	sor.u32 $0xD0000000, s2;
	s6 =	simm.s32 $0x108;
	_ =	swait.ge @!p0 [sflag:s8], $0x0  }
0x24: {  	s3 =	sadd.s32 $0x88, s3;
	s6 =	simm.s32 @!p1 $0x1082;
	[sflag:s4] =	ssyncset.s32 $0xFFFFF086  }
0x25: {  	[simem:s6], [sflag:s4] =	dma.local [hbm:s3], $0xF7A  }
0x26: {  	[smem:$0x3F9C] =	sst s1;
	(tag) =	ssettag s2;
	_ =	strace s9  }
0x27: {  	s1 =	sld [smem:$0x3FAC]  }
0x28: {  	s2 =	sld [smem:$0x3FAD]  }
0x29: {  	s4 =	sld [smem:$0x3FAF]  }
0x2a: {  	p0 =	seq.s32 s5, $0x0;
	s5 =	sld [smem:$0x3FB0]  }
0x2b: {  	s6 =	sld [smem:$0x3FB1]  }
0x2c: {  	s7 =	sld [smem:$0x3FB2]  }
0x2d: {  	s3 =	simm.s32 $0x108;
	s8 =	sld [smem:$0x3FB3]  }
0x2e: {  	s3 =	simm.s32 @!p0 $0x1082;
	s9 =	sld [smem:$0x3FB4]  }
0x2f: {  	lr =	sadd.s32 s0, s3;
	s0 =	sld [smem:$0x3FAB]  }
0x30: {  	s3 =	sld [smem:$0x3FAE]  }
0x31: {  	[smem:$0x3FB7] =	sst s10  }
0x32: {  	s10 =	sld [smem:$0x3FB5];
	_ =	sdelay $0x3  }
0x33: {  	p0 =	seq.s32 s10, $0x1;
	s10 =	sld [smem:$0x3FB7];
	_ =	sdelay $0x3  }
0x34: {  	[smem:$0x3FB7] =	sst s10  }
0x35: {  	s10 =	sld [smem:$0x3FB6];
	_ =	sdelay $0x3  }
0x36: {  	p1 =	seq.s32 s10, $0x1;
	s10 =	sld [smem:$0x3FB7];
	_ =	sdelay $0x3  }
0x37: {  	[smem:$0x3FB7] =	sst s10  }
0x38: {  	s10 =	sld [smem:$0x3FB8]  }
0x39: {  	_ = 	snop;
	(pc) =	sbr.ind lr, $3  }
0x3a: {  	_ = 	snop  }
0x3b: {  	_ = 	snop  }
0x3c: {  	p2 =	seq.s32 s10, $0x1;
	s10 =	sld [smem:$0x3FB7]  }
0x3d: {  	_ =	shalt  }
0x3e: {  	_ =	shalt  }
0x3f: {  	_ =	shalt  }
0x40: {  	_ =	shalt  }
0x41: {  	_ =	shalt  }
0x42: {  	_ =	shalt  }
0x43: {  	_ =	shalt  }
0x44: {  	_ =	shalt  }
0x45: {  	_ =	shalt  }
0x46: {  	_ =	shalt  }
0x47: {  	_ =	shalt  }
0x48: {  	_ =	shalt  }
0x49: {  	_ =	shalt  }
0x4a: {  	_ =	shalt  }
0x4b: {  	_ =	shalt  }
0x4c: {  	_ =	shalt  }
0x4d: {  	_ =	shalt  }
0x4e: {  	_ =	shalt  }
0x4f: {  	_ =	shalt  }
0x50: {  	_ =	shalt  }
0x51: {  	_ =	shalt  }
0x52: {  	_ =	shalt  }
0x53: {  	_ =	shalt  }
0x54: {  	_ =	shalt  }
0x55: {  	_ =	shalt  }
0x56: {  	_ =	shalt  }
0x57: {  	_ =	shalt  }
0x58: {  	_ =	shalt  }
0x59: {  	_ =	shalt  }
0x5a: {  	_ =	shalt  }
0x5b: {  	_ =	shalt  }
0x5c: {  	_ =	shalt  }
0x5d: {  	_ =	shalt  }
0x5e: {  	_ =	shalt  }
0x5f: {  	_ =	shalt  }
0x60: {  	_ =	shalt  }
0x61: {  	_ =	shalt  }
0x62: {  	_ =	shalt  }
0x63: {  	_ =	shalt  }
0x64: {  	_ =	shalt  }
0x65: {  	_ =	shalt  }
0x66: {  	_ =	shalt  }
0x67: {  	_ =	shalt  }
0x68: {  	_ =	shalt  }
0x69: {  	_ =	shalt  }
0x6a: {  	_ =	shalt  }
0x6b: {  	_ =	shalt  }
0x6c: {  	_ =	shalt  }
0x6d: {  	_ =	shalt  }
0x6e: {  	_ =	shalt  }
0x6f: {  	_ =	shalt  }
0x70: {  	_ =	shalt  }
0x71: {  	_ =	shalt  }
0x72: {  	_ =	shalt  }
0x73: {  	_ =	shalt  }
0x74: {  	_ =	shalt  }
0x75: {  	_ =	shalt  }
0x76: {  	_ =	shalt  }
0x77: {  	_ =	shalt  }
0x78: {  	_ =	shalt  }
0x79: {  	_ =	shalt  }
0x7a: {  	_ =	shalt  }
0x7b: {  	_ =	shalt  }
0x7c: {  	_ =	shalt  }
0x7d: {  	_ =	shalt  }
0x7e: {  	_ =	shalt  }
0x7f: {  	_ =	shalt  }
0x80: {  	_ =	shalt  }
0x81: {  	_ =	shalt  }
0x82: {  	_ =	shalt  }
0x83: {  	_ =	shalt  }
0x84: {  	_ =	shalt  }
0x85: {  	_ =	shalt  }
0x86: {  	_ =	shalt  }
0x87: {  	_ =	shalt  }
.Lfunc_end0:
.L_simem_size_0:
called_computation_lowered:
.L_overlay_start_0:
0x88: {  	s2 =	sld [smem:$0x3FD9]  }
0x89: {  	s3 =	sld [smem:$0x3FFE];
	_ =	sdelay $0x1  }
0x8a: {  	s1 =	srdreg.scid  }
0x8b: {  	s0 =	sand.u32 $0x1, s1  }
0x8c: {  	s14 =	sshll.u32 s0, $0xA;
	s2 =	sadd.s32 s3, s2  }
0x8d: {  	s2 =	sadd.s32 s2, s14  }
0x8e: {  	[smem:$0x3FC3] =	sst s2  }
0x8f: {  	_ = 	snop  }
0x90: {  	s2 =	sld [smem:$0x3FD0];
	_ =	sdelay $0x2  }
0x91: {  	s4 =	simm.s32 $0xA;
	s5 =	simm.s32 $0x10;
	s15 =	sld [smem:$0x3FC7]  }
0x92: {  	[smem:s5], [sflag:s4] =	dma.local [hbm:s2], $0x1  }
0x93: {  	_ =	swait.eq [sflag:s4], $0x1  }
0x94: {  	[sflag:s4] =	ssyncset.done $0x0  }
0x95: {  	s16 =	sld [smem:$0x10];
	[sflag:s4] =	ssyncadd.s32 $0xFFFFFFFF  }
0x96: {  	s17 =	sld [smem:$0x12];
	(tm) =	ssettm $0x1  }
0x97: {  	s18 =	sld [smem:$0x3FFB];
	_ =	sdelay $0x3  }
0x98: {  	_ =	strace s18  }
0x99: {  	s5 =	sld [smem:$0x3FFC];
	_ =	sdelay $0x3  }
0x9a: {  	_ =	strace s5  }
0x9b: {  	s5 =	sld [smem:$0x3FFD];
	_ =	sdelay $0x3  }
0x9c: {  	_ =	strace s5  }
0x9d: {  	_ =	strace $0x8FFFFFFF  }
0x9e: {  	s19 =	sld [smem:$0x3FDB];
	_ =	sdelay $0x1  }
0x9f: {  	s6 =	simm.s32 $_scs_section_size  }
0xa0: {  	s7 =	simm.s32 $_size__tile_overlayer_lowered;
	s8 =	simm.s32 $_tile_overlayer_lowered  }
0xa1: {  	s22 =	simm.s32 $0x1BFF;
	s21 =	sshll.u32 s8, $0x1;
	s5 =	sadd.s32 s6, s19  }
0xa2: {  	s9 =	simm.s32 $0x0;
	s20 =	sshll.u32 s7, $0x1;
	s7 =	sadd.s32 s21, s5  }
0xa3: {  	[timem:s9], [sflag:s22] =	dma.local [hbm:s7], s20  }
0xa4: {  	_ =	swait.ge [sflag:s22], s20  }
0xa5: {  	s6 =	ssub.s32 $0x0, s20;
	[sflag:s22] =	ssyncset.done $0x0  }
0xa6: {  	[sflag:s22] =	ssyncadd.s32 s6;
	_ =	sdelay $0x1  }
0xa7: {  	s23 =	simm.s32 $0x1B8B  }
0xa8: {  	_ =	swait.ge [sflag:s23], $0x1  }
0xa9: {  	[sflag:s23] =	ssyncset.done $0x0  }
0xaa: {  	s25 =	simm.s32 $0x1B8E;
	s24 =	sld [smem:$0x3FFE];
	[sflag:s23] =	ssyncadd.s32 $0xFFFFFFFF  }
0xab: {  	s26 =	simm.s32 $execute0_lowered;
	[smem:$0x3FD2] =	sst s25  }
0xac: {  	s7 =	sshll.u32 s26, $0x1;
	_ =	strace $0x80000046;
	[dreg:$0x1] =	wrdreg $0xFFFFFFFF  }
0xad: {  	s28 =	simm.s32 $_size_execute0_lowered;
	s5 =	sadd.s32 s5, s7;
	[dreg:$0x0] =	wrdreg $0x0  }
0xae: {  	s7 =	sshll.u32 s28, $0x1;
	[dreg:$0x2] =	wrdreg s5  }
0xaf: {  	[dreg:$0x3] =	wrdreg s7  }
0xb0: {  	[dreg:$0x4] =	wrdreg $0xC0  }
0xb1: {  	_ =	task [dreg:s9], $0x5FFFF  }
0xb2: {  	[dreg:$0x1] =	wrdreg $0xFFFFFFFF  }
0xb3: {  	[dreg:$0x0] =	wrdreg $0x60  }
0xb4: {  	[dreg:$0x2] =	wrdreg s24  }
0xb5: {  	[dreg:$0x3] =	wrdreg s17  }
0xb6: {  	[dreg:$0x4] =	wrdreg s15  }
0xb7: {  	[dreg:$0x5] =	wrdreg s16  }
0xb8: {  	[dreg:$0x6] =	wrdreg $0x9  }
0xb9: {  	_ =	task.clear_ibuf [dreg:s9], $0x7FFFF;
	_ =	strace $0x90000046  }
0xba: {  	s29 =	simm.s32 $0x9;
	_ =	strace $0x80000048  }
0xbb: {  	_ =	swait.ge [sflag:s29], $0x1  }
0xbc: {  	[sflag:s29] =	ssyncadd.s32 $0xFFFFFFFF  }
0xbd: {  	_ =	strace $0x90000048  }
0xbe: {  	_ =	sfence  }
0xbf: {  	s30 =	sld [smem:$0x0];
	_ =	sdelay $0x2  }
0xc0: {  	s31 =	sshll.u32 s1, $0xD;
	s1 =	sshrl.u32 s1, $0x2  }
0xc1: {  	s3 =	sand.u32 $0x4000, s31;
	s1 =	sadd.s32 s1, s30  }
0xc2: {  	s0 =	sor.u32 s3, s0;
	s1 =	sshll.u32 s1, $0x11  }
0xc3: {  	s0 =	sor.u32 s1, s0  }
0xc4: {  	s0 =	sadd.s32 $0x8F2B, s0  }
0xc5: {  	[sflag:s0] =	ssyncadd.remote.s32 $0x1  }
0xc6: {  	_ =	sfence.sel $0xFFFF  }
0xc7: {  	[dreg:$0x0] =	wrdreg $0xFFFFFFFF;
	(pc) =	sbr.abs _section_cstart, $3  }
0xc8: {  	[dreg:$0x1] =	wrdreg $0xFFFFFFFF  }
0xc9: {  	_ =	task.clear_ibuf [dreg:s9], $0x2FFFF;
	_ =	strace $0x9FFFFFFF  }
0xca: {  	(tm) =	ssettm $0x7FFFFFFF  }
0xcb: {  	_ =	shalt  }
tec
execute0_lowered:
.L_overlay_start_1:
0x0: {  	(tag) =	ssettag $0x1  }
0x1: {  	s8 =	rddreg [dreg:$0x0]  }
0x2: {  	s6 =	rddreg [dreg:$0x1]  }
0x3: {  	s4 =	rddreg [dreg:$0x2]  }
0x4: {  	s2 =	rddreg [dreg:$0x3];
	s3 =	srdreg.scid  }
0x5: {  	s0 =	rddreg [dreg:$0x4];
	s1 =	stileid.u32;
	s9 =	sand.u32 $0x1, s3  }
0x6: {  	s3 =	simm.s32 $0x0;
	s5 =	sshll.u32 s1, $0x3;
	s7 =	sshll.u32 s9, $0x2  }
0x7: {  	[smem:$0x7FF] =	sst s3;
	s7 =	sor.u32 s7, s5  }
0x8: {  	_ =	strace $0x80000047;
	s5 =	simm.s32 $0x2;
	s4 =	sadd.s32 s4, s7  }
0x9: {  	[tilespmem:s3], [sflag:$0x2] =	stream.linear.gather [hbm4b:s4+s3], $0x20, $0x38;
	[tilespmem:$0x1100] =	vst v63  }
0xa: {  	_ =	swait.ge [sflag:s5], $0x20  }
0xb: {  	s11 =	simm.s32 $0x100;
	s12 =	ssub.s32 $0x2, s9;
	[sflag:s5] =	ssyncset.done $0x0  }
0xc: {  	s6 =	sadd.s32 s6, s7;
	s7 =	simm.s32 $0x80;
	[sflag:s5] =	ssyncadd.s32 $0xFFFFFFE0  }
0xd: {  	[tilespmem:s7], [sflag:$0x2] =	stream.linear.gather [hbm4b:s6+s3], $0x20, $0x38;
	[tilespmem:$0x1100] =	vst v63  }
0xe: {  	s10 =	simm.s32 $0x1;
	s13 =	sshrl.u32 s12, $0x1;
	_ =	swait.ge [sflag:s5], $0x20  }
0xf: {  	s8 =	sadd.s32 $0xA00, s8;
	s12 =	ssub.s32 s12, s13;
	[sflag:s5] =	ssyncset.done $0x0  }
0x10: {  	s9 =	simm.s32 $0x20;
	s12 =	smax.u32 s12, $0x1;
	[sflag:s5] =	ssyncadd.s32 $0xFFFFFFE0  }
0x11: {  	[tilespmem:s11], [sflag:$0x1] =	stream.indirect.gather [hbm4b:s8+s9], $0x80, s7, s9, $0xb8;
	[tilespmem:$0x1100] =	vst v63  }
0x12: {  	p0 =	sne.s32 s12, $0x1;
	_ =	swait.ge [sflag:s10], $0x1000  }
.Ltmp0:
0x13: {  	[sflag:s10] =	ssyncset.done $0x0;
	(pc) =	sbr.rel @!p0 .LBB2_2-.Ltmp0, $4  }
0x14: {  	[sflag:s10] =	ssyncadd.s32 $0xFFFFF000  }
0x15: {  	[hbm4b:s2+s9] =	stream.indirect.scatter [tilespmem:s11], [sflag:$0x1], $0x80, s3, s9, $0xb8;
	[tilespmem:$0x1100] =	vst v63  }
0x16: {  	_ =	swait.ge [sflag:s10], $0x1000  }
0x17: {  	s12 =	sadd.s32 $0xFFFFFFFF, s12;
	[sflag:s10] =	ssyncset.done $0x0  }
.LBB2_1:
0x18: {  	p0 =	sne.s32 s12, $0x1;
	s12 =	sadd.s32 $0xFFFFFFFF, s12;
	[sflag:s10] =	ssyncadd.s32 $0xFFFFF000  }
0x19: {  	[tilespmem:s3], [sflag:$0x2] =	stream.linear.gather [hbm4b:s4+s3], $0x20, $0x38;
	[tilespmem:$0x1100] =	vst v63  }
0x1a: {  	_ =	swait.ge [sflag:s5], $0x20  }
0x1b: {  	[sflag:s5] =	ssyncset.done $0x0  }
0x1c: {  	[sflag:s5] =	ssyncadd.s32 $0xFFFFFFE0  }
0x1d: {  	[tilespmem:s7], [sflag:$0x2] =	stream.linear.gather [hbm4b:s6+s3], $0x20, $0x38;
	[tilespmem:$0x1100] =	vst v63  }
0x1e: {  	_ =	swait.ge [sflag:s5], $0x20  }
0x1f: {  	[sflag:s5] =	ssyncset.done $0x0  }
0x20: {  	[sflag:s5] =	ssyncadd.s32 $0xFFFFFFE0  }
0x21: {  	[tilespmem:s11], [sflag:$0x1] =	stream.indirect.gather [hbm4b:s8+s9], $0x80, s7, s9, $0xb8;
	[tilespmem:$0x1100] =	vst v63  }
0x22: {  	_ =	swait.ge [sflag:s10], $0x1000  }
.Ltmp1:
0x23: {  	[sflag:s10] =	ssyncset.done $0x0;
	(pc) =	sbr.rel @p0 .LBB2_1-.Ltmp1, $4  }
0x24: {  	[sflag:s10] =	ssyncadd.s32 $0xFFFFF000  }
0x25: {  	[hbm4b:s2+s9] =	stream.indirect.scatter [tilespmem:s11], [sflag:$0x1], $0x80, s3, s9, $0xb8;
	[tilespmem:$0x1100] =	vst v63  }
0x26: {  	_ =	swait.ge [sflag:s10], $0x1000  }
0x27: {  	[sflag:s10] =	ssyncset.done $0x0  }
.LBB2_2:
0x28: {  	[sflag:s10] =	ssyncadd.s32 $0xFFFFF000  }
0x29: {  	_ =	sfence.sel $0x180000  }
0x2a: {  	[bflag:$0x0] =	sbarrier.arrive $0xFFFF  }
0x2b: {  	p0 =	sne.s32 s1, $0x0;
	_ =	strace $0x90000047  }
0x2c: {  	s0 =	sadd.s32 @!p0 $0x100000, s0;
	[bflag:$0x2] =	sbarrier.arrive $0xFFFF  }
0x2d: {  	[sflag:s0] =	ssyncadd.tile.s32 @!p0 $0x1;
	_ =	shalt  }
.Lfunc_end2:
_tile_overlayer_lowered:
.L_overlay_start_2:
0x2e: {  	(tag) =	ssettag $0x2  }
0x2f: {  	s0 =	rddreg [dreg:$0x0];
	s2 =	stileid.u32  }
0x30: {  	s1 =	rddreg [dreg:$0x1];
	p0 =	sne.s32 s2, $0x0  }
0x31: {  	s3 =	rddreg [dreg:$0x2];
	[bflag:$0x3] =	sbarrier.arrive $0xFFFF;
	s2 =	simm.s32 @!p0 $0x1C02  }
0x32: {  	[timem:s3], [sflag:s2] =	dma.local @!p0 [hbm:s0], s1  }
0x33: {  	s0 =	simm.s32 @!p0 $0x2  }
0x34: {  	_ =	swait.ge @!p0 [sflag:s0], s1  }
0x35: {  	s1 =	ssub.s32 @!p0 $0x0, s1;
	[sflag:s0] =	ssyncset.done @!p0 $0x0  }
0x36: {  	[sflag:s0] =	ssyncadd.s32 @!p0 s1  }
0x37: {  	[bflag:$0x3] =	sbarrier.arrive $0xFFFF  }
0x38: {  	_ =	shalt  }

</sc_bundles>
